<compile_context>
chip_gen: v7x
topology: tpu7x:2x2x1
jax: 0.10.2.dev20260603
libtpu: 0.0.44.dev20260713+nightly
codegen_flags: <defaults>
</compile_context>

<pallas_src>
import dataclasses

import jax
import jax.numpy as jnp
from jax import lax
from jax.experimental import pallas as pl
from jax.experimental.pallas import tpu as pltpu
from jax.experimental.pallas import tpu_sc as plsc

NUM_GRAPHS = 4096
TOTAL_ATOMS = 524288
NLANES = 16
NC, NS = 2, 16
NW = NC * NS
CHUNK = TOTAL_ATOMS // NW


def _shift_gather(x, idx):
    dnums = lax.GatherDimensionNumbers(
        offset_dims=(), collapsed_slice_dims=(0,), start_index_map=(0,))
    return lax.gather(x, idx[:, None], dnums, slice_sizes=(1,),
                      mode=lax.GatherScatterMode.PROMISE_IN_BOUNDS)


def _sc_partials(z_hbm, g_hbm, w_hbm, sums_out, cnts_out,
                 zb, gb, wv, sums, cnts, sem_z, sem_g, sem_w):
    wid = lax.axis_index("s") * NC + lax.axis_index("c")
    base = wid * CHUNK

    half = CHUNK // 2
    cp_z0 = pltpu.async_copy(z_hbm.at[pl.ds(base, half)],
                             zb.at[pl.ds(0, half)], sem_z)
    cp_g0 = pltpu.async_copy(g_hbm.at[pl.ds(base, half)],
                             gb.at[pl.ds(0, half)], sem_g)
    cp_w = pltpu.async_copy(w_hbm, wv, sem_w)

    zero16 = jnp.zeros((NLANES,), jnp.float32)

    @pl.loop(0, NUM_GRAPHS, step=NLANES)
    def _(j):
        sums[pl.ds(j, NLANES)] = zero16
        cnts[pl.ds(j, NLANES)] = zero16

    iota = lax.iota(jnp.int32, NLANES)

    def segsum_block(lo, hi):
        @plsc.parallel_loop(lo, hi, step=NLANES, unroll=4)
        def _(i):
            g = gb[pl.ds(i, NLANES)]
            z = zb[pl.ds(i, NLANES)]
            w = plsc.load_gather(wv, [z])
            cnt, rend = plsc.scan_count(g)
            cum = plsc.cumsum(w)
            pe = iota - cnt
            bsv = jnp.where(pe >= 0,
                            _shift_gather(cum, jnp.maximum(pe, 0)), 0.0)
            plsc.addupdate_scatter(sums, [g], cum - bsv, mask=rend)
            plsc.addupdate_scatter(cnts, [g], cnt.astype(jnp.float32),
                                   mask=rend)

    cp_z0.wait()
    cp_g0.wait()
    cp_w.wait()
    cp_z1 = pltpu.async_copy(z_hbm.at[pl.ds(base + half, half)],
                             zb.at[pl.ds(half, half)], sem_z)
    cp_g1 = pltpu.async_copy(g_hbm.at[pl.ds(base + half, half)],
                             gb.at[pl.ds(half, half)], sem_g)
    segsum_block(0, half)
    cp_z1.wait()
    cp_g1.wait()
    segsum_block(half, CHUNK)

    pltpu.sync_copy(sums, sums_out.at[wid])
    pltpu.sync_copy(cnts, cnts_out.at[wid])


def _combine_body(s_ref, c_ref, o_ref):
    s = jnp.sum(s_ref[...], axis=0, keepdims=True)
    c = jnp.sum(c_ref[...], axis=0, keepdims=True)
    o_ref[...] = s / jnp.maximum(c, 1.0)


@jax.jit
def kernel(atomic_number, graph_ids, W):
    z = atomic_number.astype(jnp.int32)
    g = graph_ids.astype(jnp.int32)
    wp = W.reshape(-1).astype(jnp.float32)

    mesh = plsc.VectorSubcoreMesh(core_axis_name="c", subcore_axis_name="s")
    f32 = jnp.float32
    cp = pltpu.CompilerParams()
    if "needs_layout_passes" in pltpu.CompilerParams.__dataclass_fields__:
        cp = dataclasses.replace(cp, needs_layout_passes=False)
    sc = pl.kernel(
        _sc_partials,
        out_type=(jax.ShapeDtypeStruct((NW, NUM_GRAPHS), f32),
                  jax.ShapeDtypeStruct((NW, NUM_GRAPHS), f32)),
        mesh=mesh,
        scratch_types=[
            pltpu.VMEM((CHUNK,), jnp.int32),
            pltpu.VMEM((CHUNK,), jnp.int32),
            pltpu.VMEM((94,), f32),
            pltpu.VMEM((NUM_GRAPHS,), f32),
            pltpu.VMEM((NUM_GRAPHS,), f32),
            pltpu.SemaphoreType.DMA,
            pltpu.SemaphoreType.DMA,
            pltpu.SemaphoreType.DMA,
        ],
        compiler_params=cp,
    )
    sums, cnts = sc(z, g, wp)

    energy = pl.pallas_call(
        _combine_body,
        out_shape=jax.ShapeDtypeStruct((1, NUM_GRAPHS), f32),
    )(sums, cnts)
    return energy.reshape(-1)

# --- scband reference (transcript-rebuilt; emitter-appended) ---
"""Pipeline reference for scband-atom-ref-22204980920755 (READ-ONLY COPY).

The authoritative reference and input builder live on the scoring server;
editing this copy changes nothing except your own understanding.
"""

import jax, jax.numpy as jnp
import numpy as np

NUM_GRAPHS = 4096
TOTAL_ATOMS = 524288
MAX_ELEM = 94
IS_INTENSIVE = True


def setup_inputs(seed: int = 0) -> dict:
    key = jax.random.key(seed)
    k1, k2, k3 = jax.random.split(key, 3)
    # atomic_number here is already zero-indexed (i.e. Z-1 in the torch code),
    # values in [0, 94)
    atomic_number = jax.random.randint(k1, (TOTAL_ATOMS,), 0, MAX_ELEM, dtype=jnp.int64 if jax.config.jax_enable_x64 else jnp.int32)
    # graph membership for each atom: sorted segment ids in [0, NUM_GRAPHS)
    graph_ids = jnp.sort(jax.random.randint(k2, (TOTAL_ATOMS,), 0, NUM_GRAPHS, dtype=jnp.int64 if jax.config.jax_enable_x64 else jnp.int32))
    # fitted linear weight of fc: shape [1, 94]
    W = jax.random.normal(k3, (1, MAX_ELEM), dtype=jnp.float32)
    return {"atomic_number": atomic_number, "graph_ids": graph_ids, "W": W}


def reference(atomic_number, graph_ids, W):
    # _assemble_graphs: per-graph bincount over element types (scatter-add)
    comp = jnp.zeros((NUM_GRAPHS, MAX_ELEM), dtype=jnp.float32)
    comp = comp.at[graph_ids, atomic_number].add(1.0)
    if IS_INTENSIVE:
        n_atoms = jax.ops.segment_sum(
            jnp.ones((TOTAL_ATOMS,), dtype=jnp.float32), graph_ids, num_segments=NUM_GRAPHS
        )
        comp = comp / jnp.maximum(n_atoms, 1.0)[:, None]
    # _get_energy: fc (Linear 94 -> 1, no bias), then view(-1)
    energy = (comp @ W.T).reshape(-1)
    return energy

if __name__ == "__main__":
    import jax
    _d = setup_inputs()
    print(jax.jit(kernel)(*tuple(_d.values())))

</pallas_src>

<mosaic_0001>
#map = affine_map<(d0, d1) -> (0)>
#map1 = affine_map<(d0, d1) -> (0, 0)>
module attributes {stable_mosaic.version = 14 : i64} {
  func.func @_sc_partials(%arg0: i32, %arg1: i32, %arg2: memref<524288xi32, #tpu.memory_space<hbm>>, %arg3: memref<524288xi32, #tpu.memory_space<hbm>>, %arg4: memref<94xf32, #tpu.memory_space<hbm>>, %arg5: memref<32x4096xf32, #tpu.memory_space<hbm>>, %arg6: memref<32x4096xf32, #tpu.memory_space<hbm>>, %arg7: memref<16384xi32, #tpu.memory_space<vmem>>, %arg8: memref<16384xi32, #tpu.memory_space<vmem>>, %arg9: memref<94xf32, #tpu.memory_space<vmem>>, %arg10: memref<4096xf32, #tpu.memory_space<vmem>>, %arg11: memref<4096xf32, #tpu.memory_space<vmem>>, %arg12: memref<!tpu.dma_semaphore, #tpu.memory_space<semaphore_mem>>, %arg13: memref<!tpu.dma_semaphore, #tpu.memory_space<semaphore_mem>>, %arg14: memref<!tpu.dma_semaphore, #tpu.memory_space<semaphore_mem>>) attributes {dimension_semantics = [#tpu.dimension_semantics<core_parallel>, #tpu.dimension_semantics<subcore_parallel>], iteration_bounds = array<i64: 2, 16>, scalar_prefetch = 0 : i64, scratch_operands = 8 : i64, tpu.core_type = #tpu.core_type<sc_vector_subcore>, window_params = [{transform_indices = #map}, {transform_indices = #map}, {transform_indices = #map}, {transform_indices = #map1}, {transform_indices = #map1}]} {
    %mul3A = arith.constant 2 : i32
    %mul3A_0 = arith.muli %arg1, %mul3A : i32
    %add3A = arith.addi %mul3A_0, %arg0 : i32
    %mul3A_1 = arith.constant 16384 : i32
    %mul3A_2 = arith.muli %add3A, %mul3A_1 : i32
    %dma_start3A = arith.constant 0 : i32
    %dma_start3A_3 = tpu.memref_slice %arg7[%dma_start3A] : memref<16384xi32, #tpu.memory_space<vmem>> -> memref<8192xi32, #tpu.memory_space<vmem>>
    %dma_start3A_4 = tpu.memref_slice %arg2[%mul3A_2] : memref<524288xi32, #tpu.memory_space<hbm>> -> memref<8192xi32, #tpu.memory_space<hbm>>
    %dma_start3A_5 = arith.constant 0 : i32
    %dma_start3A_6 = tpu.memref_slice %arg7[%dma_start3A_5] : memref<16384xi32, #tpu.memory_space<vmem>> -> memref<8192xi32, #tpu.memory_space<vmem>>
    %dma_start3A_7 = tpu.memref_slice %arg2[%mul3A_2] : memref<524288xi32, #tpu.memory_space<hbm>> -> memref<8192xi32, #tpu.memory_space<hbm>>
    tpu.enqueue_dma source(%dma_start3A_7 : memref<8192xi32, #tpu.memory_space<hbm>>) target(%dma_start3A_6 : memref<8192xi32, #tpu.memory_space<vmem>>) target_semaphore(%arg12 : memref<!tpu.dma_semaphore, #tpu.memory_space<semaphore_mem>>)
    %dma_start3A_8 = arith.constant 0 : i32
    %dma_start3A_9 = tpu.memref_slice %arg8[%dma_start3A_8] : memref<16384xi32, #tpu.memory_space<vmem>> -> memref<8192xi32, #tpu.memory_space<vmem>>
    %dma_start3A_10 = tpu.memref_slice %arg3[%mul3A_2] : memref<524288xi32, #tpu.memory_space<hbm>> -> memref<8192xi32, #tpu.memory_space<hbm>>
    %dma_start3A_11 = arith.constant 0 : i32
    %dma_start3A_12 = tpu.memref_slice %arg8[%dma_start3A_11] : memref<16384xi32, #tpu.memory_space<vmem>> -> memref<8192xi32, #tpu.memory_space<vmem>>
    %dma_start3A_13 = tpu.memref_slice %arg3[%mul3A_2] : memref<524288xi32, #tpu.memory_space<hbm>> -> memref<8192xi32, #tpu.memory_space<hbm>>
    tpu.enqueue_dma source(%dma_start3A_13 : memref<8192xi32, #tpu.memory_space<hbm>>) target(%dma_start3A_12 : memref<8192xi32, #tpu.memory_space<vmem>>) target_semaphore(%arg13 : memref<!tpu.dma_semaphore, #tpu.memory_space<semaphore_mem>>)
    tpu.enqueue_dma source(%arg4 : memref<94xf32, #tpu.memory_space<hbm>>) target(%arg9 : memref<94xf32, #tpu.memory_space<vmem>>) target_semaphore(%arg14 : memref<!tpu.dma_semaphore, #tpu.memory_space<semaphore_mem>>)
    %broadcast_in_dim3A = arith.constant 0.000000e+00 : f32
    %broadcast_in_dim3A_14 = vector.broadcast %broadcast_in_dim3A : f32 to vector<16xf32>
    %scan3A = arith.constant 0 : i32
    %scan3A_15 = arith.constant 256 : i32
    %scan3A_16 = arith.addi %scan3A, %scan3A_15 : i32
    %scan3A_17 = arith.constant 1 : i32
    scf.for %scan3A_63 = %scan3A to %scan3A_16 step %scan3A_17  : i32 {
      %mul3A_64 = arith.constant 16 : i32
      %mul3A_65 = arith.muli %scan3A_63, %mul3A_64 : i32
      %add3A_66 = arith.constant 0 : i32
      %add3A_67 = arith.addi %add3A_66, %mul3A_65 : i32
      %swap3A = arith.index_cast %add3A_67 : i32 to index
      %swap3A_68 = tpu.vector_load %arg10[%swap3A] {strides = array<i32>} : memref<4096xf32, #tpu.memory_space<vmem>>, vector<16xf32>,
      tpu.vector_store %arg10[%swap3A], %broadcast_in_dim3A_14 {strides = array<i32>} : memref<4096xf32, #tpu.memory_space<vmem>>, vector<16xf32>,
      %swap3A_69 = arith.index_cast %add3A_67 : i32 to index
      %swap3A_70 = tpu.vector_load %arg11[%swap3A_69] {strides = array<i32>} : memref<4096xf32, #tpu.memory_space<vmem>>, vector<16xf32>,
      tpu.vector_store %arg11[%swap3A_69], %broadcast_in_dim3A_14 {strides = array<i32>} : memref<4096xf32, #tpu.memory_space<vmem>>, vector<16xf32>,
    }
    %scan3A_18 = arith.constant 256 : i32
    %iota3A = tpu.iota {dimensions = array<i32: 0>} : vector<16xi32>
    %dma_wait3A = arith.constant 0 : i32
    %dma_wait3A_19 = tpu.memref_slice %arg7[%dma_wait3A] : memref<16384xi32, #tpu.memory_space<vmem>> -> memref<8192xi32, #tpu.memory_space<vmem>>
    %dma_wait3A_20 = tpu.memref_slice %arg2[%mul3A_2] : memref<524288xi32, #tpu.memory_space<hbm>> -> memref<8192xi32, #tpu.memory_space<hbm>>
    %dma_wait3A_21 = arith.constant 0 : i32
    %dma_wait3A_22 = tpu.memref_slice %arg7[%dma_wait3A_21] : memref<16384xi32, #tpu.memory_space<vmem>> -> memref<8192xi32, #tpu.memory_space<vmem>>
    %dma_wait3A_23 = tpu.memref_slice %arg2[%mul3A_2] : memref<524288xi32, #tpu.memory_space<hbm>> -> memref<8192xi32, #tpu.memory_space<hbm>>
    tpu.wait_dma2 semaphore(%arg12 : memref<!tpu.dma_semaphore, #tpu.memory_space<semaphore_mem>>) src(%dma_wait3A_23 : memref<8192xi32, #tpu.memory_space<hbm>>) dst(%dma_wait3A_22 : memref<8192xi32, #tpu.memory_space<vmem>>)
    %dma_wait3A_24 = arith.constant 0 : i32
    %dma_wait3A_25 = tpu.memref_slice %arg8[%dma_wait3A_24] : memref<16384xi32, #tpu.memory_space<vmem>> -> memref<8192xi32, #tpu.memory_space<vmem>>
    %dma_wait3A_26 = tpu.memref_slice %arg3[%mul3A_2] : memref<524288xi32, #tpu.memory_space<hbm>> -> memref<8192xi32, #tpu.memory_space<hbm>>
    %dma_wait3A_27 = arith.constant 0 : i32
    %dma_wait3A_28 = tpu.memref_slice %arg8[%dma_wait3A_27] : memref<16384xi32, #tpu.memory_space<vmem>> -> memref<8192xi32, #tpu.memory_space<vmem>>
    %dma_wait3A_29 = tpu.memref_slice %arg3[%mul3A_2] : memref<524288xi32, #tpu.memory_space<hbm>> -> memref<8192xi32, #tpu.memory_space<hbm>>
    tpu.wait_dma2 semaphore(%arg13 : memref<!tpu.dma_semaphore, #tpu.memory_space<semaphore_mem>>) src(%dma_wait3A_29 : memref<8192xi32, #tpu.memory_space<hbm>>) dst(%dma_wait3A_28 : memref<8192xi32, #tpu.memory_space<vmem>>)
    tpu.wait_dma2 semaphore(%arg14 : memref<!tpu.dma_semaphore, #tpu.memory_space<semaphore_mem>>) src(%arg4 : memref<94xf32, #tpu.memory_space<hbm>>) dst(%arg9 : memref<94xf32, #tpu.memory_space<vmem>>)
    %add3A_30 = arith.constant 8192 : i32
    %add3A_31 = arith.addi %mul3A_2, %add3A_30 : i32
    %dma_start3A_32 = arith.constant 8192 : i32
    %dma_start3A_33 = tpu.memref_slice %arg7[%dma_start3A_32] : memref<16384xi32, #tpu.memory_space<vmem>> -> memref<8192xi32, #tpu.memory_space<vmem>>
    %dma_start3A_34 = tpu.memref_slice %arg2[%add3A_31] : memref<524288xi32, #tpu.memory_space<hbm>> -> memref<8192xi32, #tpu.memory_space<hbm>>
    %dma_start3A_35 = arith.constant 8192 : i32
    %dma_start3A_36 = tpu.memref_slice %arg7[%dma_start3A_35] : memref<16384xi32, #tpu.memory_space<vmem>> -> memref<8192xi32, #tpu.memory_space<vmem>>
    %dma_start3A_37 = tpu.memref_slice %arg2[%add3A_31] : memref<524288xi32, #tpu.memory_space<hbm>> -> memref<8192xi32, #tpu.memory_space<hbm>>
    tpu.enqueue_dma source(%dma_start3A_37 : memref<8192xi32, #tpu.memory_space<hbm>>) target(%dma_start3A_36 : memref<8192xi32, #tpu.memory_space<vmem>>) target_semaphore(%arg12 : memref<!tpu.dma_semaphore, #tpu.memory_space<semaphore_mem>>)
    %add3A_38 = arith.constant 8192 : i32
    %add3A_39 = arith.addi %mul3A_2, %add3A_38 : i32
    %dma_start3A_40 = arith.constant 8192 : i32
    %dma_start3A_41 = tpu.memref_slice %arg8[%dma_start3A_40] : memref<16384xi32, #tpu.memory_space<vmem>> -> memref<8192xi32, #tpu.memory_space<vmem>>
    %dma_start3A_42 = tpu.memref_slice %arg3[%add3A_39] : memref<524288xi32, #tpu.memory_space<hbm>> -> memref<8192xi32, #tpu.memory_space<hbm>>
    %dma_start3A_43 = arith.constant 8192 : i32
    %dma_start3A_44 = tpu.memref_slice %arg8[%dma_start3A_43] : memref<16384xi32, #tpu.memory_space<vmem>> -> memref<8192xi32, #tpu.memory_space<vmem>>
    %dma_start3A_45 = tpu.memref_slice %arg3[%add3A_39] : memref<524288xi32, #tpu.memory_space<hbm>> -> memref<8192xi32, #tpu.memory_space<hbm>>
    tpu.enqueue_dma source(%dma_start3A_45 : memref<8192xi32, #tpu.memory_space<hbm>>) target(%dma_start3A_44 : memref<8192xi32, #tpu.memory_space<vmem>>) target_semaphore(%arg13 : memref<!tpu.dma_semaphore, #tpu.memory_space<semaphore_mem>>)
    %parallel_loop3A = arith.constant 0 : i32
    %parallel_loop3A_46 = arith.constant 8192 : i32
    %parallel_loop3A_47 = arith.constant 16 : i32
    scf.for %parallel_loop3A_63 = %parallel_loop3A to %parallel_loop3A_46 step %parallel_loop3A_47  : i32 {
      %parallel_loop3A_64 = arith.index_cast %parallel_loop3A_63 : i32 to index
      %parallel_loop3A_65 = tpu.vector_load %arg8[%parallel_loop3A_64] {strides = array<i32>} : memref<16384xi32, #tpu.memory_space<vmem>>, vector<16xi32>,
      %parallel_loop3A_66 = arith.index_cast %parallel_loop3A_63 : i32 to index
      %parallel_loop3A_67 = tpu.vector_load %arg7[%parallel_loop3A_66] {strides = array<i32>} : memref<16384xi32, #tpu.memory_space<vmem>>, vector<16xi32>,
      %parallel_loop3A_68 = tpu.vector_load_idx %arg9[%parallel_loop3A_67] : memref<94xf32, #tpu.memory_space<vmem>>[vector<16xi32>], vector<16xf32>,
      %parallel_loop3A_69 = arith.constant true
      %parallel_loop3A_70 = vector.broadcast %parallel_loop3A_69 : i1 to vector<16xi1>
      %parallel_loop3A_71, %parallel_loop3A_72 = tpu.scan_count mask(%parallel_loop3A_70 : vector<16xi1>) value(%parallel_loop3A_65 : vector<16xi32>) : vector<16xi1>, vector<16xi32>
      %parallel_loop3A_73 = arith.constant true
      %parallel_loop3A_74 = vector.broadcast %parallel_loop3A_73 : i1 to vector<16xi1>
      %parallel_loop3A_75 = tpu.scan <sum>, %parallel_loop3A_68 masked %parallel_loop3A_74 : vector<16xf32>, vector<16xi1> -> vector<16xf32>
      %parallel_loop3A_76 = arith.subi %iota3A, %parallel_loop3A_72 : vector<16xi32>
      %parallel_loop3A_77 = arith.constant 0 : i32
      %parallel_loop3A_78 = vector.broadcast %parallel_loop3A_77 : i32 to vector<16xi32>
      %parallel_loop3A_79 = arith.cmpi sge, %parallel_loop3A_76, %parallel_loop3A_78 : vector<16xi32>
      %parallel_loop3A_80 = arith.constant 0 : i32
      %parallel_loop3A_81 = vector.broadcast %parallel_loop3A_80 : i32 to vector<16xi32>
      %parallel_loop3A_82 = arith.maxsi %parallel_loop3A_76, %parallel_loop3A_81 : vector<16xi32>
      %parallel_loop3A_83 = vector.shape_cast %parallel_loop3A_82 : vector<16xi32> to vector<16x1xi32>
      %parallel_loop3A_84 = vector.shape_cast %parallel_loop3A_83 : vector<16x1xi32> to vector<16xi32>
      %parallel_loop3A_85 = tpu.dynamic_gather %parallel_loop3A_75[%parallel_loop3A_84] in [0] : vector<16xf32>, vector<16xi32> -> vector<16xf32>
      %parallel_loop3A_86 = arith.constant 0.000000e+00 : f32
      %parallel_loop3A_87 = vector.broadcast %parallel_loop3A_86 : f32 to vector<16xf32>
      %parallel_loop3A_88 = arith.select %parallel_loop3A_79, %parallel_loop3A_85, %parallel_loop3A_87 : vector<16xi1>, vector<16xf32>
      %parallel_loop3A_89 = arith.subf %parallel_loop3A_75, %parallel_loop3A_88 : vector<16xf32>
      tpu.vector_store_idx %arg10[%parallel_loop3A_65], %parallel_loop3A_89 masked %parallel_loop3A_71 {add = true} : memref<4096xf32, #tpu.memory_space<vmem>>[vector<16xi32>], vector<16xf32>, vector<16xi1>
      %parallel_loop3A_90 = arith.sitofp %parallel_loop3A_72 : vector<16xi32> to vector<16xf32>
      tpu.vector_store_idx %arg11[%parallel_loop3A_65], %parallel_loop3A_90 masked %parallel_loop3A_71 {add = true} : memref<4096xf32, #tpu.memory_space<vmem>>[vector<16xi32>], vector<16xf32>, vector<16xi1>
    } {sc.loop_unroll_factor = 4 : i64, sc.parallel_access}
    %dma_wait3A_48 = arith.constant 8192 : i32
    %dma_wait3A_49 = tpu.memref_slice %arg7[%dma_wait3A_48] : memref<16384xi32, #tpu.memory_space<vmem>> -> memref<8192xi32, #tpu.memory_space<vmem>>
    %dma_wait3A_50 = tpu.memref_slice %arg2[%add3A_31] : memref<524288xi32, #tpu.memory_space<hbm>> -> memref<8192xi32, #tpu.memory_space<hbm>>
    %dma_wait3A_51 = arith.constant 8192 : i32
    %dma_wait3A_52 = tpu.memref_slice %arg7[%dma_wait3A_51] : memref<16384xi32, #tpu.memory_space<vmem>> -> memref<8192xi32, #tpu.memory_space<vmem>>
    %dma_wait3A_53 = tpu.memref_slice %arg2[%add3A_31] : memref<524288xi32, #tpu.memory_space<hbm>> -> memref<8192xi32, #tpu.memory_space<hbm>>
    tpu.wait_dma2 semaphore(%arg12 : memref<!tpu.dma_semaphore, #tpu.memory_space<semaphore_mem>>) src(%dma_wait3A_53 : memref<8192xi32, #tpu.memory_space<hbm>>) dst(%dma_wait3A_52 : memref<8192xi32, #tpu.memory_space<vmem>>)
    %dma_wait3A_54 = arith.constant 8192 : i32
    %dma_wait3A_55 = tpu.memref_slice %arg8[%dma_wait3A_54] : memref<16384xi32, #tpu.memory_space<vmem>> -> memref<8192xi32, #tpu.memory_space<vmem>>
    %dma_wait3A_56 = tpu.memref_slice %arg3[%add3A_39] : memref<524288xi32, #tpu.memory_space<hbm>> -> memref<8192xi32, #tpu.memory_space<hbm>>
    %dma_wait3A_57 = arith.constant 8192 : i32
    %dma_wait3A_58 = tpu.memref_slice %arg8[%dma_wait3A_57] : memref<16384xi32, #tpu.memory_space<vmem>> -> memref<8192xi32, #tpu.memory_space<vmem>>
    %dma_wait3A_59 = tpu.memref_slice %arg3[%add3A_39] : memref<524288xi32, #tpu.memory_space<hbm>> -> memref<8192xi32, #tpu.memory_space<hbm>>
    tpu.wait_dma2 semaphore(%arg13 : memref<!tpu.dma_semaphore, #tpu.memory_space<semaphore_mem>>) src(%dma_wait3A_59 : memref<8192xi32, #tpu.memory_space<hbm>>) dst(%dma_wait3A_58 : memref<8192xi32, #tpu.memory_space<vmem>>)
    %parallel_loop3A_60 = arith.constant 8192 : i32
    %parallel_loop3A_61 = arith.constant 16384 : i32
    %parallel_loop3A_62 = arith.constant 16 : i32
    scf.for %parallel_loop3A_63 = %parallel_loop3A_60 to %parallel_loop3A_61 step %parallel_loop3A_62  : i32 {
      %parallel_loop3A_64 = arith.index_cast %parallel_loop3A_63 : i32 to index
      %parallel_loop3A_65 = tpu.vector_load %arg8[%parallel_loop3A_64] {strides = array<i32>} : memref<16384xi32, #tpu.memory_space<vmem>>, vector<16xi32>,
      %parallel_loop3A_66 = arith.index_cast %parallel_loop3A_63 : i32 to index
      %parallel_loop3A_67 = tpu.vector_load %arg7[%parallel_loop3A_66] {strides = array<i32>} : memref<16384xi32, #tpu.memory_space<vmem>>, vector<16xi32>,
      %parallel_loop3A_68 = tpu.vector_load_idx %arg9[%parallel_loop3A_67] : memref<94xf32, #tpu.memory_space<vmem>>[vector<16xi32>], vector<16xf32>,
      %parallel_loop3A_69 = arith.constant true
      %parallel_loop3A_70 = vector.broadcast %parallel_loop3A_69 : i1 to vector<16xi1>
      %parallel_loop3A_71, %parallel_loop3A_72 = tpu.scan_count mask(%parallel_loop3A_70 : vector<16xi1>) value(%parallel_loop3A_65 : vector<16xi32>) : vector<16xi1>, vector<16xi32>
      %parallel_loop3A_73 = arith.constant true
      %parallel_loop3A_74 = vector.broadcast %parallel_loop3A_73 : i1 to vector<16xi1>
      %parallel_loop3A_75 = tpu.scan <sum>, %parallel_loop3A_68 masked %parallel_loop3A_74 : vector<16xf32>, vector<16xi1> -> vector<16xf32>
      %parallel_loop3A_76 = arith.subi %iota3A, %parallel_loop3A_72 : vector<16xi32>
      %parallel_loop3A_77 = arith.constant 0 : i32
      %parallel_loop3A_78 = vector.broadcast %parallel_loop3A_77 : i32 to vector<16xi32>
      %parallel_loop3A_79 = arith.cmpi sge, %parallel_loop3A_76, %parallel_loop3A_78 : vector<16xi32>
      %parallel_loop3A_80 = arith.constant 0 : i32
      %parallel_loop3A_81 = vector.broadcast %parallel_loop3A_80 : i32 to vector<16xi32>
      %parallel_loop3A_82 = arith.maxsi %parallel_loop3A_76, %parallel_loop3A_81 : vector<16xi32>
      %parallel_loop3A_83 = vector.shape_cast %parallel_loop3A_82 : vector<16xi32> to vector<16x1xi32>
      %parallel_loop3A_84 = vector.shape_cast %parallel_loop3A_83 : vector<16x1xi32> to vector<16xi32>
      %parallel_loop3A_85 = tpu.dynamic_gather %parallel_loop3A_75[%parallel_loop3A_84] in [0] : vector<16xf32>, vector<16xi32> -> vector<16xf32>
      %parallel_loop3A_86 = arith.constant 0.000000e+00 : f32
      %parallel_loop3A_87 = vector.broadcast %parallel_loop3A_86 : f32 to vector<16xf32>
      %parallel_loop3A_88 = arith.select %parallel_loop3A_79, %parallel_loop3A_85, %parallel_loop3A_87 : vector<16xi1>, vector<16xf32>
      %parallel_loop3A_89 = arith.subf %parallel_loop3A_75, %parallel_loop3A_88 : vector<16xf32>
      tpu.vector_store_idx %arg10[%parallel_loop3A_65], %parallel_loop3A_89 masked %parallel_loop3A_71 {add = true} : memref<4096xf32, #tpu.memory_space<vmem>>[vector<16xi32>], vector<16xf32>, vector<16xi1>
      %parallel_loop3A_90 = arith.sitofp %parallel_loop3A_72 : vector<16xi32> to vector<16xf32>
      tpu.vector_store_idx %arg11[%parallel_loop3A_65], %parallel_loop3A_90 masked %parallel_loop3A_71 {add = true} : memref<4096xf32, #tpu.memory_space<vmem>>[vector<16xi32>], vector<16xf32>, vector<16xi1>
    } {sc.loop_unroll_factor = 4 : i64, sc.parallel_access}
    "tpu.region"() ({
      %run_scoped3A = tpu.sem_alloc : memref<!tpu.dma_semaphore, #tpu.memory_space<semaphore_mem>>
      %dma_start3A_63 = arith.constant 0 : i32
      %dma_start3A_64 = tpu.memref_slice %arg5[%add3A, %dma_start3A_63] : memref<32x4096xf32, #tpu.memory_space<hbm>> -> memref<1x4096xf32, #tpu.memory_space<hbm>>
      %dma_start3A_65 = tpu.memref_squeeze %dma_start3A_64 : memref<1x4096xf32, #tpu.memory_space<hbm>> -> memref<4096xf32, #tpu.memory_space<hbm>>
      %dma_start3A_66 = arith.constant 0 : i32
      %dma_start3A_67 = tpu.memref_slice %arg5[%add3A, %dma_start3A_66] : memref<32x4096xf32, #tpu.memory_space<hbm>> -> memref<1x4096xf32, #tpu.memory_space<hbm>>
      %dma_start3A_68 = tpu.memref_squeeze %dma_start3A_67 : memref<1x4096xf32, #tpu.memory_space<hbm>> -> memref<4096xf32, #tpu.memory_space<hbm>>
      tpu.enqueue_dma source(%arg10 : memref<4096xf32, #tpu.memory_space<vmem>>) target(%dma_start3A_68 : memref<4096xf32, #tpu.memory_space<hbm>>) target_semaphore(%run_scoped3A : memref<!tpu.dma_semaphore, #tpu.memory_space<semaphore_mem>>)
      %dma_wait3A_69 = arith.constant 0 : i32
      %dma_wait3A_70 = tpu.memref_slice %arg5[%add3A, %dma_wait3A_69] : memref<32x4096xf32, #tpu.memory_space<hbm>> -> memref<1x4096xf32, #tpu.memory_space<hbm>>
      %dma_wait3A_71 = tpu.memref_squeeze %dma_wait3A_70 : memref<1x4096xf32, #tpu.memory_space<hbm>> -> memref<4096xf32, #tpu.memory_space<hbm>>
      %dma_wait3A_72 = arith.constant 0 : i32
      %dma_wait3A_73 = tpu.memref_slice %arg5[%add3A, %dma_wait3A_72] : memref<32x4096xf32, #tpu.memory_space<hbm>> -> memref<1x4096xf32, #tpu.memory_space<hbm>>
      %dma_wait3A_74 = tpu.memref_squeeze %dma_wait3A_73 : memref<1x4096xf32, #tpu.memory_space<hbm>> -> memref<4096xf32, #tpu.memory_space<hbm>>
      tpu.wait_dma2 semaphore(%run_scoped3A : memref<!tpu.dma_semaphore, #tpu.memory_space<semaphore_mem>>) src(%arg10 : memref<4096xf32, #tpu.memory_space<vmem>>) dst(%dma_wait3A_74 : memref<4096xf32, #tpu.memory_space<hbm>>)
      tpu.yield
    }) : () -> ()
    "tpu.region"() ({
      %run_scoped3A = tpu.sem_alloc : memref<!tpu.dma_semaphore, #tpu.memory_space<semaphore_mem>>
      %dma_start3A_63 = arith.constant 0 : i32
      %dma_start3A_64 = tpu.memref_slice %arg6[%add3A, %dma_start3A_63] : memref<32x4096xf32, #tpu.memory_space<hbm>> -> memref<1x4096xf32, #tpu.memory_space<hbm>>
      %dma_start3A_65 = tpu.memref_squeeze %dma_start3A_64 : memref<1x4096xf32, #tpu.memory_space<hbm>> -> memref<4096xf32, #tpu.memory_space<hbm>>
      %dma_start3A_66 = arith.constant 0 : i32
      %dma_start3A_67 = tpu.memref_slice %arg6[%add3A, %dma_start3A_66] : memref<32x4096xf32, #tpu.memory_space<hbm>> -> memref<1x4096xf32, #tpu.memory_space<hbm>>
      %dma_start3A_68 = tpu.memref_squeeze %dma_start3A_67 : memref<1x4096xf32, #tpu.memory_space<hbm>> -> memref<4096xf32, #tpu.memory_space<hbm>>
      tpu.enqueue_dma source(%arg11 : memref<4096xf32, #tpu.memory_space<vmem>>) target(%dma_start3A_68 : memref<4096xf32, #tpu.memory_space<hbm>>) target_semaphore(%run_scoped3A : memref<!tpu.dma_semaphore, #tpu.memory_space<semaphore_mem>>)
      %dma_wait3A_69 = arith.constant 0 : i32
      %dma_wait3A_70 = tpu.memref_slice %arg6[%add3A, %dma_wait3A_69] : memref<32x4096xf32, #tpu.memory_space<hbm>> -> memref<1x4096xf32, #tpu.memory_space<hbm>>
      %dma_wait3A_71 = tpu.memref_squeeze %dma_wait3A_70 : memref<1x4096xf32, #tpu.memory_space<hbm>> -> memref<4096xf32, #tpu.memory_space<hbm>>
      %dma_wait3A_72 = arith.constant 0 : i32
      %dma_wait3A_73 = tpu.memref_slice %arg6[%add3A, %dma_wait3A_72] : memref<32x4096xf32, #tpu.memory_space<hbm>> -> memref<1x4096xf32, #tpu.memory_space<hbm>>
      %dma_wait3A_74 = tpu.memref_squeeze %dma_wait3A_73 : memref<1x4096xf32, #tpu.memory_space<hbm>> -> memref<4096xf32, #tpu.memory_space<hbm>>
      tpu.wait_dma2 semaphore(%run_scoped3A : memref<!tpu.dma_semaphore, #tpu.memory_space<semaphore_mem>>) src(%arg11 : memref<4096xf32, #tpu.memory_space<vmem>>) dst(%dma_wait3A_74 : memref<4096xf32, #tpu.memory_space<hbm>>)
      tpu.yield
    }) : () -> ()
    return
  }
}

module attributes {stable_mosaic.version = 14 : i64} {
  func.func @_combine_body(%arg0: memref<32x4096xf32, #tpu.memory_space<vmem>>, %arg1: memref<32x4096xf32, #tpu.memory_space<vmem>>, %arg2: memref<1x4096xf32, #tpu.memory_space<vmem>>) attributes {dimension_semantics = [], scalar_prefetch = 0 : i64, scratch_operands = 0 : i64, tpu.core_type = #tpu.core_type<tc>} {
    %get3A = arith.constant 0 : index
    %get3A_0 = arith.constant 0 : index
    %get3A_1 = vector.load %arg0[%get3A, %get3A_0] : memref<32x4096xf32, #tpu.memory_space<vmem>>, vector<32x4096xf32>
    %reduce_sum3A = arith.constant dense<0.000000e+00> : vector<4096xf32>
    %reduce_sum3A_2 = vector.multi_reduction <add>, %get3A_1, %reduce_sum3A [0] : vector<32x4096xf32> to vector<4096xf32>
    %broadcast_in_dim3A = vector.shape_cast %reduce_sum3A_2 : vector<4096xf32> to vector<1x4096xf32>
    %get3A_3 = arith.constant 0 : index
    %get3A_4 = arith.constant 0 : index
    %get3A_5 = vector.load %arg1[%get3A_3, %get3A_4] : memref<32x4096xf32, #tpu.memory_space<vmem>>, vector<32x4096xf32>
    %reduce_sum3A_6 = arith.constant dense<0.000000e+00> : vector<4096xf32>
    %reduce_sum3A_7 = vector.multi_reduction <add>, %get3A_5, %reduce_sum3A_6 [0] : vector<32x4096xf32> to vector<4096xf32>
    %broadcast_in_dim3A_8 = vector.shape_cast %reduce_sum3A_7 : vector<4096xf32> to vector<1x4096xf32>
    %max3A = arith.constant 1.000000e+00 : f32
    %max3A_9 = vector.broadcast %max3A : f32 to vector<1x4096xf32>
    %max3A_10 = arith.maximumf %broadcast_in_dim3A_8, %max3A_9 : vector<1x4096xf32>
    %div3A = arith.divf %broadcast_in_dim3A, %max3A_10 : vector<1x4096xf32>
    %swap3A = arith.constant 0 : index
    %swap3A_11 = arith.constant 0 : index
    %swap3A_12 = vector.load %arg2[%swap3A, %swap3A_11] : memref<1x4096xf32, #tpu.memory_space<vmem>>, vector<1x4096xf32>
    tpu.vector_store %arg2[%swap3A, %swap3A_11], %div3A {strides = array<i32>} : memref<1x4096xf32, #tpu.memory_space<vmem>>, vector<1x4096xf32>,
    return
  }
}

</mosaic_0001>

<sc_bundles>
// kernel: kernel.4.cloned.1.call-start
scs
__scs_entry_jumppad:
0x0: {  	(pc) =	sbr.rel $0x88, $3  }
0x1: {  	(tag) =	ssettag $0x0;
	lr =	simm.s32 $0x1  }
0x2: {  	[smem:$0x3F9E] =	sst lr;
	_ =	strace $0xD0000000  }
0x3: {  	_ = 	snop  }
0x4: {  	_ = 	snop  }
0x5: {  	_ = 	snop  }
0x6: {  	_ = 	snop  }
0x7: {  	_ = 	snop  }
__scs_overlays_trampoline_lowered:
0x8: {  	[smem:$0x3FAD] =	sst s0  }
0x9: {  	[smem:$0x3FAE] =	sst s1  }
0xa: {  	[smem:$0x3FAF] =	sst s2  }
0xb: {  	[smem:$0x3FB0] =	sst s3  }
0xc: {  	[smem:$0x3FB1] =	sst s4  }
0xd: {  	[smem:$0x3FB2] =	sst s5  }
0xe: {  	[smem:$0x3FB3] =	sst s6  }
0xf: {  	[smem:$0x3FB4] =	sst s7  }
0x10: {  	[smem:$0x3FB5] =	sst s8  }
0x11: {  	[smem:$0x3FB6] =	sst s9;
	s0 =	simm.s32 @!p0 $0x0  }
0x12: {  	s1 =	sld [smem:$0x3F9C];
	s0 =	simm.s32 @p0 $0x1  }
0x13: {  	[smem:$0x3FB7] =	sst s0;
	s0 =	simm.s32 @!p1 $0x0  }
0x14: {  	s2 =	sld [smem:$0x3F9B];
	s0 =	simm.s32 @p1 $0x1  }
0x15: {  	[smem:$0x3FB8] =	sst s0;
	s0 =	simm.s32 @!p2 $0x0  }
0x16: {  	s3 =	sld [smem:$0x3FDB];
	s0 =	simm.s32 @p2 $0x1  }
0x17: {  	s4 =	simm.s32 $0x1BF5;
	[smem:$0x3FBA] =	sst s0  }
0x18: {  	s0 =	sld [smem:$0x3F9D];
	_ =	swait.ge [sflag:s4], $0x0  }
0x19: {  	s7 =	sld [smem:$0x3F9E]  }
0x1a: {  	s8 =	sadd.s32 $0xFFFFE003, lr  }
0x1b: {  	s9 =	sadd.s32 $0xFFFFFEF7, lr;
	s5 =	simm.s32 $0xFFFFFFFF;
	p2 =	slt.u32 s8, $0xFFFFF086  }
0x1c: {  	p1 =	slt.u32 s9, $0xF7A;
	s5 =	simm.s32 @!p2 $0x0  }
0x1d: {  	s5 =	simm.s32 @p1 $0x1;
	p0 =	seq.s32 s7, s2  }
0x1e: {  	s7 =	smul.u32 @!p0 $0xF7A, s2;
	p2 =	seq.s32 @!p0 s5, $0x0  }
0x1f: {  	s9 =	smul.u32 $0xF7A, s1;
	s8 =	simm.s32 @!p0 $0x1BF5;
	p2 =	por !p2, p0  }
0x20: {  	[sflag:s8] =	ssyncset.s32 @!p0 $0xFFFFF086;
	s6 =	sadd.s32 @!p0 s3, s7;
	s7 =	simm.s32 @!p0 $0x108  }
0x21: {  	s3 =	sadd.s32 s3, s9;
	s6 =	sadd.s32 @!p0 $0x88, s6;
	s7 =	simm.s32 @p2 $0x1082  }
0x22: {  	[simem:s7], [sflag:s8] =	dma.local @!p0 [hbm:s6], $0xF7A  }
0x23: {  	s9 =	sor.u32 $0xD0000000, s2;
	s6 =	simm.s32 $0x108;
	_ =	swait.ge @!p0 [sflag:s8], $0x0  }
0x24: {  	s3 =	sadd.s32 $0x88, s3;
	s6 =	simm.s32 @!p1 $0x1082;
	[sflag:s4] =	ssyncset.s32 $0xFFFFF086  }
0x25: {  	[simem:s6], [sflag:s4] =	dma.local [hbm:s3], $0xF7A  }
0x26: {  	[smem:$0x3F9E] =	sst s1;
	(tag) =	ssettag s2;
	_ =	strace s9  }
0x27: {  	s1 =	sld [smem:$0x3FAE]  }
0x28: {  	s2 =	sld [smem:$0x3FAF]  }
0x29: {  	s4 =	sld [smem:$0x3FB1]  }
0x2a: {  	p0 =	seq.s32 s5, $0x0;
	s5 =	sld [smem:$0x3FB2]  }
0x2b: {  	s6 =	sld [smem:$0x3FB3]  }
0x2c: {  	s7 =	sld [smem:$0x3FB4]  }
0x2d: {  	s3 =	simm.s32 $0x108;
	s8 =	sld [smem:$0x3FB5]  }
0x2e: {  	s3 =	simm.s32 @!p0 $0x1082;
	s9 =	sld [smem:$0x3FB6]  }
0x2f: {  	lr =	sadd.s32 s0, s3;
	s0 =	sld [smem:$0x3FAD]  }
0x30: {  	s3 =	sld [smem:$0x3FB0]  }
0x31: {  	[smem:$0x3FB9] =	sst s10  }
0x32: {  	s10 =	sld [smem:$0x3FB7];
	_ =	sdelay $0x3  }
0x33: {  	p0 =	seq.s32 s10, $0x1;
	s10 =	sld [smem:$0x3FB9];
	_ =	sdelay $0x3  }
0x34: {  	[smem:$0x3FB9] =	sst s10  }
0x35: {  	s10 =	sld [smem:$0x3FB8];
	_ =	sdelay $0x3  }
0x36: {  	p1 =	seq.s32 s10, $0x1;
	s10 =	sld [smem:$0x3FB9];
	_ =	sdelay $0x3  }
0x37: {  	[smem:$0x3FB9] =	sst s10  }
0x38: {  	s10 =	sld [smem:$0x3FBA]  }
0x39: {  	_ = 	snop;
	(pc) =	sbr.ind lr, $3  }
0x3a: {  	_ = 	snop  }
0x3b: {  	_ = 	snop  }
0x3c: {  	p2 =	seq.s32 s10, $0x1;
	s10 =	sld [smem:$0x3FB9]  }
0x3d: {  	_ =	shalt  }
0x3e: {  	_ =	shalt  }
0x3f: {  	_ =	shalt  }
0x40: {  	_ =	shalt  }
0x41: {  	_ =	shalt  }
0x42: {  	_ =	shalt  }
0x43: {  	_ =	shalt  }
0x44: {  	_ =	shalt  }
0x45: {  	_ =	shalt  }
0x46: {  	_ =	shalt  }
0x47: {  	_ =	shalt  }
0x48: {  	_ =	shalt  }
0x49: {  	_ =	shalt  }
0x4a: {  	_ =	shalt  }
0x4b: {  	_ =	shalt  }
0x4c: {  	_ =	shalt  }
0x4d: {  	_ =	shalt  }
0x4e: {  	_ =	shalt  }
0x4f: {  	_ =	shalt  }
0x50: {  	_ =	shalt  }
0x51: {  	_ =	shalt  }
0x52: {  	_ =	shalt  }
0x53: {  	_ =	shalt  }
0x54: {  	_ =	shalt  }
0x55: {  	_ =	shalt  }
0x56: {  	_ =	shalt  }
0x57: {  	_ =	shalt  }
0x58: {  	_ =	shalt  }
0x59: {  	_ =	shalt  }
0x5a: {  	_ =	shalt  }
0x5b: {  	_ =	shalt  }
0x5c: {  	_ =	shalt  }
0x5d: {  	_ =	shalt  }
0x5e: {  	_ =	shalt  }
0x5f: {  	_ =	shalt  }
0x60: {  	_ =	shalt  }
0x61: {  	_ =	shalt  }
0x62: {  	_ =	shalt  }
0x63: {  	_ =	shalt  }
0x64: {  	_ =	shalt  }
0x65: {  	_ =	shalt  }
0x66: {  	_ =	shalt  }
0x67: {  	_ =	shalt  }
0x68: {  	_ =	shalt  }
0x69: {  	_ =	shalt  }
0x6a: {  	_ =	shalt  }
0x6b: {  	_ =	shalt  }
0x6c: {  	_ =	shalt  }
0x6d: {  	_ =	shalt  }
0x6e: {  	_ =	shalt  }
0x6f: {  	_ =	shalt  }
0x70: {  	_ =	shalt  }
0x71: {  	_ =	shalt  }
0x72: {  	_ =	shalt  }
0x73: {  	_ =	shalt  }
0x74: {  	_ =	shalt  }
0x75: {  	_ =	shalt  }
0x76: {  	_ =	shalt  }
0x77: {  	_ =	shalt  }
0x78: {  	_ =	shalt  }
0x79: {  	_ =	shalt  }
0x7a: {  	_ =	shalt  }
0x7b: {  	_ =	shalt  }
0x7c: {  	_ =	shalt  }
0x7d: {  	_ =	shalt  }
0x7e: {  	_ =	shalt  }
0x7f: {  	_ =	shalt  }
0x80: {  	_ =	shalt  }
0x81: {  	_ =	shalt  }
0x82: {  	_ =	shalt  }
0x83: {  	_ =	shalt  }
0x84: {  	_ =	shalt  }
0x85: {  	_ =	shalt  }
0x86: {  	_ =	shalt  }
0x87: {  	_ =	shalt  }
.Lfunc_end0:
.L_simem_size_0:
called_computation_lowered:
.L_overlay_start_0:
0x88: {  	s2 =	sld [smem:$0x3FD9]  }
0x89: {  	s3 =	sld [smem:$0x3FFE];
	_ =	sdelay $0x1  }
0x8a: {  	s1 =	srdreg.scid  }
0x8b: {  	s0 =	sand.u32 $0x1, s1  }
0x8c: {  	s17 =	sshll.u32 s0, $0xA;
	s2 =	sadd.s32 s3, s2  }
0x8d: {  	s2 =	sadd.s32 s2, s17  }
0x8e: {  	[smem:$0x3FC5] =	sst s2  }
0x8f: {  	_ = 	snop  }
0x90: {  	s2 =	sld [smem:$0x3FC9]  }
0x91: {  	s18 =	sld [smem:$0x3FC8]  }
0x92: {  	s4 =	sld [smem:$0x3FC7];
	(tm) =	ssettm $0x1  }
0x93: {  	s5 =	sld [smem:$0x3FFB];
	_ =	sdelay $0x3  }
0x94: {  	_ =	strace s5  }
0x95: {  	s5 =	sld [smem:$0x3FFC];
	_ =	sdelay $0x3  }
0x96: {  	_ =	strace s5  }
0x97: {  	s5 =	sld [smem:$0x3FFD];
	_ =	sdelay $0x3  }
0x98: {  	_ =	strace s5  }
0x99: {  	_ =	strace $0x8FFFFFFF  }
0x9a: {  	s19 =	sld [smem:$0x3FDB];
	_ =	sdelay $0x1  }
0x9b: {  	s6 =	simm.s32 $_scs_section_size  }
0x9c: {  	s7 =	simm.s32 $_size__tile_overlayer_lowered;
	s8 =	simm.s32 $_tile_overlayer_lowered  }
0x9d: {  	s22 =	simm.s32 $0x1BFF;
	s21 =	sshll.u32 s8, $0x1;
	s5 =	sadd.s32 s6, s19  }
0x9e: {  	s9 =	simm.s32 $0x0;
	s20 =	sshll.u32 s7, $0x1;
	s7 =	sadd.s32 s21, s5  }
0x9f: {  	[timem:s9], [sflag:s22] =	dma.local [hbm:s7], s20  }
0xa0: {  	_ =	swait.ge [sflag:s22], s20  }
0xa1: {  	s6 =	ssub.s32 $0x0, s20;
	[sflag:s22] =	ssyncset.done $0x0  }
0xa2: {  	[sflag:s22] =	ssyncadd.s32 s6;
	_ =	sdelay $0x1  }
0xa3: {  	s23 =	simm.s32 $0x1B8B  }
0xa4: {  	_ =	swait.ge [sflag:s23], $0x1  }
0xa5: {  	[sflag:s23] =	ssyncset.done $0x0  }
0xa6: {  	s25 =	simm.s32 $0x1B8E;
	s24 =	sld [smem:$0x3FFE];
	[sflag:s23] =	ssyncadd.s32 $0xFFFFFFFF  }
0xa7: {  	s26 =	simm.s32 $execute0_lowered;
	[smem:$0x3FD2] =	sst s25  }
0xa8: {  	s7 =	sshll.u32 s26, $0x1;
	_ =	strace $0x80000046;
	[dreg:$0x1] =	wrdreg $0xFFFFFFFF  }
0xa9: {  	s28 =	simm.s32 $_size_execute0_lowered;
	s5 =	sadd.s32 s5, s7;
	[dreg:$0x0] =	wrdreg $0x0  }
0xaa: {  	s7 =	sshll.u32 s28, $0x1;
	[dreg:$0x2] =	wrdreg s5  }
0xab: {  	[dreg:$0x3] =	wrdreg s7  }
0xac: {  	[dreg:$0x4] =	wrdreg $0xC0  }
0xad: {  	_ =	task [dreg:s9], $0x5FFFF  }
0xae: {  	[dreg:$0x1] =	wrdreg $0xFFFFFFFF  }
0xaf: {  	[dreg:$0x0] =	wrdreg $0x60  }
0xb0: {  	[dreg:$0x2] =	wrdreg s2  }
0xb1: {  	[dreg:$0x3] =	wrdreg s18  }
0xb2: {  	[dreg:$0x4] =	wrdreg s4  }
0xb3: {  	[dreg:$0x5] =	wrdreg s24  }
0xb4: {  	[dreg:$0x6] =	wrdreg $0x9  }
0xb5: {  	_ =	task.clear_ibuf [dreg:s9], $0x7FFFF;
	_ =	strace $0x90000046  }
0xb6: {  	s29 =	simm.s32 $0x9;
	_ =	strace $0x80000048  }
0xb7: {  	_ =	swait.ge [sflag:s29], $0x1  }
0xb8: {  	[sflag:s29] =	ssyncadd.s32 $0xFFFFFFFF  }
0xb9: {  	_ =	strace $0x90000048  }
0xba: {  	_ =	sfence  }
0xbb: {  	s30 =	sld [smem:$0x0];
	_ =	sdelay $0x2  }
0xbc: {  	s31 =	sshll.u32 s1, $0xD;
	s1 =	sshrl.u32 s1, $0x2  }
0xbd: {  	s3 =	sand.u32 $0x4000, s31;
	s1 =	sadd.s32 s1, s30  }
0xbe: {  	s0 =	sor.u32 s3, s0;
	s1 =	sshll.u32 s1, $0x11  }
0xbf: {  	s0 =	sor.u32 s1, s0  }
0xc0: {  	s0 =	sadd.s32 $0x8F2B, s0  }
0xc1: {  	[sflag:s0] =	ssyncadd.remote.s32 $0x1  }
0xc2: {  	_ =	sfence.sel $0xFFFF  }
0xc3: {  	[dreg:$0x0] =	wrdreg $0xFFFFFFFF;
	(pc) =	sbr.abs _section_cstart, $3  }
0xc4: {  	[dreg:$0x1] =	wrdreg $0xFFFFFFFF  }
0xc5: {  	_ =	task.clear_ibuf [dreg:s9], $0x2FFFF;
	_ =	strace $0x9FFFFFFF  }
0xc6: {  	(tm) =	ssettm $0x7FFFFFFF  }
0xc7: {  	_ =	shalt  }
tec
execute0_lowered:
.L_overlay_start_1:
0x0: {  	(tag) =	ssettag $0x1  }
0x1: {  	s6 =	rddreg [dreg:$0x0]  }
0x2: {  	s7 =	rddreg [dreg:$0x1]  }
0x3: {  	s2 =	rddreg [dreg:$0x2];
	s1 =	srdreg.scid  }
0x4: {  	s0 =	stileid.u32;
	s4 =	rddreg [dreg:$0x3];
	s11 =	simm.s32 $0x4000  }
0x5: {  	s12 =	simm.s32 $0x8000;
	s13 =	simm.s32 $0x1;
	s14 =	simm.s32 $0x2  }
0x6: {  	s15 =	simm.s32 $0x3;
	s16 =	simm.s32 $0x2000;
	s17 =	simm.s32 $0x6000  }
0x7: {  	s18 =	simm.s32 $0x8080;
	s19 =	simm.s32 $0x9080;
	s20 =	simm.s32 $0x80  }
0x8: {  	s21 =	simm.s32 $0x400;
	s22 =	simm.s32 $0x4;
	s23 =	simm.s32 $0x0  }
0x9: {  	s5 =	sand.u32 $0x1, s1;
	s3 =	sshll.u32 s0, $0x1;
	s1 =	rddreg [dreg:$0x4]  }
0xa: {  	s9 =	sshll.u32 s0, $0xA;
	s8 =	sor.u32 s5, s3;
	s3 =	simm.s32 $0x0  }
0xb: {  	s5 =	ssub.s32 $0x2, s5;
	s10 =	sshll.u32 s8, $0x4;
	[smem:$0x7FF] =	sst s3  }
0xc: {  	s31 =	sshrl.u32 s5, $0x1;
	s8 =	sshll.u32 s8, $0xB;
	s9 =	sor.u32 s9, s10  }
0xd: {  	s10 =	ssub.s32 s5, s31;
	s5 =	sadd.s32 s7, s8;
	s9 =	sand.u32 $0x3070, s9  }
0xe: {  	s9 =	sadd.s32 s9, s4;
	s4 =	sadd.s32 s6, s8;
	s8 =	sor.u32 $0x400, s8  }
0xf: {  	_ =	strace $0x80000047;
	s10 =	smax.u32 s10, $0x1;
	s6 =	sadd.s32 s6, s8  }
0x10: {  	v0 =	vimm.f32 $0.0e+00;
	v1 =	vlaneseq.u32;
	s7 =	sadd.s32 s7, s8;
	s8 =	sadd.s32 $0xC00, s9;
	s9 =	sadd.s32 $0x4C00, s9  }
.LBB2_1:
0x11: {  	[tilespmem:s3], [sflag:$0x1] =	stream.linear.gather [hbm4b:s4+s3], $0x2000, $0x38;
	[tilespmem:$0xA080] =	vst v63  }
0x12: {  	_ = 	snop  }
0x13: {  	[tilespmem:s11], [sflag:$0x2] =	stream.linear.gather [hbm4b:s5+s3], $0x2000, $0x38;
	[tilespmem:$0xA080] =	vst v63  }
0x14: {  	s24 =	simm.s32 $0x40;
	s25 =	simm.s32 $0x0  }
0x15: {  	[tilespmem:s12], [sflag:$0x3] =	stream.linear.gather [hbm4b:s2+s3], $0x80, $0x38;
	[tilespmem:$0xA080] =	vst v63  }
.LBB2_2:
0x16: {  	p0 =	sne.s32 s24, $0x3FC0;
	[tilespmem:s25+$0x8080] =	vst v0;
	s26 =	smov.u32 s24;
	s24 =	sadd.s32 $0x40, s24  }
.Ltmp0:
0x17: {  	[tilespmem:s25+$0x9080] =	vst v0;
	(pc) =	sbr.rel @p0 .LBB2_2-.Ltmp0, $2  }
0x18: {  	_ =	sdelay $0x2  }
0x19: {  	s25 =	sshra.s32 s26, $0x2  }
0x1a: {  	[tilespmem:s25+$0x8080] =	vst v0  }
0x1b: {  	[tilespmem:s25+$0x9080] =	vst v0  }
0x1c: {  	_ =	swait.ge [sflag:s13], $0x2000  }
0x1d: {  	[sflag:s13] =	ssyncset.done $0x0  }
0x1e: {  	[sflag:s13] =	ssyncadd.s32 $0xFFFFE000  }
0x1f: {  	_ =	swait.ge [sflag:s14], $0x2000  }
0x20: {  	[sflag:s14] =	ssyncset.done $0x0  }
0x21: {  	[sflag:s14] =	ssyncadd.s32 $0xFFFFE000  }
0x22: {  	_ =	swait.ge [sflag:s15], $0x80  }
0x23: {  	[sflag:s15] =	ssyncset.done $0x0  }
0x24: {  	[sflag:s15] =	ssyncadd.s32 $0xFFFFFF80  }
0x25: {  	[tilespmem:s16], [sflag:$0x1] =	stream.linear.gather [hbm4b:s6+s3], $0x2000, $0x38;
	[tilespmem:$0xA080] =	vst v63  }
0x26: {  	s24 =	simm.s32 $0x20  }
0x27: {  	[tilespmem:s17], [sflag:$0x2] =	stream.linear.gather [hbm4b:s7+s3], $0x2000, $0x38;
	[tilespmem:$0xA080] =	vst v63  }
0x28: {  	s30 =	simm.s32 $0x4020;
	v2 =	vld [tilespmem:s24+$0x10]  }
0x29: {  	v7 =	vld [tilespmem:s30+$0x10];
	_ =	sdelay $0x1  }
0x2a: {  	v3 =	vld [tilespmem:s24+$0xFFFFFFE0]  }
0x2b: {  	v4 =	vld [tilespmem:s24+$0xFFFFFFF0]  }
0x2c: {  	v8 =	vld [tilespmem:s30+$0xFFFFFFF0]  }
0x2d: {  	v11 =	vld [tilespmem:s30+$0xFFFFFFE0];
	(xrf1) =	vunique.msk.u32 $0xffff, v7;
	_ =	sdelay $0x1  }
0x2e: {  	v5 =	vld.idx.msk [tilespmem:v2+s12+$0x0], $0xffff  }
0x2f: {  	v6 =	vld [tilespmem:s24+$0x0]  }
0x30: {  	(xrf1) =	vunique.msk.u32 $0xffff, v8;
	v2 =	vld [tilespmem:s30+$0x0]  }
0x31: {  	(xrf1) =	vunique.msk.u32 $0xffff, v11;
	v3 =	vld.idx.msk [tilespmem:v3+s12+$0x0], $0xffff  }
0x32: {  	v4 =	vld.idx.msk [tilespmem:v4+s12+$0x0], $0xffff  }
0x33: {  	(xrf2) =	vadd.scan.msk.f32 $0xffff, v5;
	_ =	sdelay $0x1  }
0x34: {  	s31 =	simm.s32 $0x60;
	(xrf1) =	vunique.msk.u32 $0xffff, v2  }
0x35: {  	v9 =	vld [tilespmem:s31+$0x10];
	(xrf2) =	vadd.scan.msk.f32 $0xffff, v3  }
0x36: {  	v5 =	vld.idx.msk [tilespmem:v6+s12+$0x0], $0xffff;
	(xrf2) =	vadd.scan.msk.f32 $0xffff, v4  }
0x37: {  	v10 =	vld [tilespmem:s31+$0xFFFFFFE0];
	s24 =	simm.s32 $0x4060  }
0x38: {  	v6 =	vld [tilespmem:s24+$0x10]  }
0x39: {  	v14 =	vld [tilespmem:s31+$0xFFFFFFF0];
	_, v12, vm3 =	vpop (xrf1)  }
0x3a: {  	v16 =	vld [tilespmem:s31+$0x0];
	v13 =	vsub.s32 v1, v12  }
0x3b: {  	v4 =	vld [tilespmem:s24+$0xFFFFFFF0];
	(xrf2) =	vadd.scan.msk.f32 $0xffff, v5;
	vm0 =	vgt.s32 v13, $0x0  }
0x3c: {  	v5 =	vld [tilespmem:s24+$0xFFFFFFE0];
	v3 =	vnsel vm0, $0x0, v13;
	v15, _, _ =	vpop (xrf2)  }
0x3d: {  	v21 =	vld.idx.msk [tilespmem:v9+s12+$0x0], $0xffff;
	(xrf1) =	vunique.msk.u32 $0xffff, v6;
	_, v17, vm0 =	vpop (xrf1);
	v18 =	vperm.xlane v15, v3  }
0x3e: {  	vm2 =	vgt.s32 v13, $0xFFFFFFFF;
	_, v19, vm1 =	vpop (xrf1);
	v20 =	vsub.s32 v1, v17;
	v3 =	vld [tilespmem:s24+$0x0]  }
0x3f: {  	v52 =	vsub.s32 v1, v19;
	v53, _, _ =	vpop (xrf2);
	vm4 =	vgt.s32 v20, $0x0;
	v18 =	vnsel vm2, $0x0, v18  }
0x40: {  	(xrf1) =	vunique.msk.u32 $0xffff, v4;
	v56 =	vnsel vm4, $0x0, v20;
	v57, _, _ =	vpop (xrf2);
	vm2 =	vgt.s32 v52, $0x0;
	v9 =	vsub.f32 v15, v18  }
0x41: {  	v23 =	vld.idx.msk [tilespmem:v10+s12+$0x0], $0xffff;
	v10 =	vcvt.s32.f32 v12;
	(xrf1) =	vunique.msk.u32 $0xffff, v5;
	v58 =	vperm.xlane v57, v56;
	v54 =	vnsel vm2, $0x0, v52  }
0x42: {  	vm15 =	vgt.s32 v20, $0xFFFFFFFF;
	(xrf2) =	vadd.scan.msk.f32 $0xffff, v21;
	_, v22, vm2 =	vpop (xrf1);
	v55 =	vperm.xlane v53, v54;
	[tilespmem:v7+s18+$0x0] =	vst.idx.add.f32.msk vm3, v9  }
0x43: {  	vm14 =	vgt.s32 v52, $0xFFFFFFFF;
	v24 =	vsub.s32 v1, v22;
	v12 =	vnsel vm15, $0x0, v58;
	v9 =	vld.idx.msk [tilespmem:v16+s12+$0x0], $0xffff;
	(xrf1) =	vunique.msk.u32 $0xffff, v3  }
0x44: {  	v12 =	vsub.f32 v57, v12;
	[tilespmem:v7+s19+$0x0] =	vst.idx.add.f32.msk vm3, v10;
	v7 =	vnsel vm14, $0x0, v55;
	vm3 =	vgt.s32 v24, $0x0  }
0x45: {  	v61, _, _ =	vpop (xrf2);
	v10 =	vld.idx.msk [tilespmem:v14+s12+$0x0], $0xffff;
	v7 =	vsub.f32 v53, v7;
	v59 =	vnsel vm3, $0x0, v24  }
0x46: {  	v60 =	vcvt.s32.f32 v19;
	[tilespmem:v8+s18+$0x0] =	vst.idx.add.f32.msk vm0, v12;
	v62 =	vperm.xlane v61, v59  }
0x47: {  	v63 =	vcvt.s32.f32 v17;
	vm3 =	vgt.s32 v24, $0xFFFFFFFF;
	[tilespmem:v11+s18+$0x0] =	vst.idx.add.f32.msk vm1, v7  }
0x48: {  	(xrf2) =	vadd.scan.msk.f32 $0xffff, v23;
	[tilespmem:v11+s19+$0x0] =	vst.idx.add.f32.msk vm1, v60;
	v11 =	vnsel vm3, $0x0, v62  }
0x49: {  	s25 =	simm.s32 $0x40;
	s26 =	simm.s32 $0xA0;
	[tilespmem:v8+s19+$0x0] =	vst.idx.add.f32.msk vm0, v63;
	vm0 =	vmmov vm2;
	v7 =	vcvt.s32.f32 v22;
	v8 =	vsub.f32 v61, v11  }
.LBB2_4:
0x4a: {  	v11 =	vld [tilespmem:s26+$0x10]  }
0x4b: {  	s25 =	sadd.s32 $0x40, s25;
	s24 =	sadd.s32 $0x40, s24;
	v12 =	vld [tilespmem:s26+$0xFFFFFFE0];
	(xrf2) =	vadd.scan.msk.f32 $0xffff, v10;
	_, v10, vm4 =	vpop (xrf1)  }
0x4c: {  	p0 =	slt.u32 s25, $0x1FC0;
	v13 =	vld [tilespmem:s24+$0x10];
	v14 =	vsub.s32 v1, v10  }
0x4d: {  	v15 =	vld [tilespmem:s26+$0xFFFFFFF0];
	vm1 =	vgt.s32 v14, $0x0  }
0x4e: {  	v16 =	vld [tilespmem:s26+$0x0];
	v17 =	vnsel vm1, $0x0, v14;
	(xrf2) =	vadd.scan.msk.f32 $0xffff, v9;
	v9, _, _ =	vpop (xrf2)  }
0x4f: {  	v18 =	vld [tilespmem:s24+$0xFFFFFFF0];
	v27 =	vperm.xlane v9, v17;
	_, v19, vm1 =	vpop (xrf1)  }
0x50: {  	vm2 =	vgt.s32 v14, $0xFFFFFFFF;
	v20 =	vld [tilespmem:s24+$0x0];
	v21 =	vsub.s32 v1, v19;
	v19 =	vcvt.s32.f32 v19;
	_, v14, vm3 =	vpop (xrf1)  }
0x51: {  	v22 =	vld [tilespmem:s24+$0xFFFFFFE0];
	(xrf1) =	vunique.msk.u32 $0xffff, v13;
	v23 =	vsub.s32 v1, v14;
	vm5 =	vgt.s32 v21, $0x0;
	v26 =	vnsel vm2, $0x0, v27;
	_, v24, vm2 =	vpop (xrf1)  }
0x52: {  	v11 =	vld.idx.msk [tilespmem:v11+s12+$0x0], $0xffff;
	vm6 =	vgt.s32 v23, $0x0;
	v25 =	vsub.s32 v1, v24;
	v9 =	vsub.f32 v9, v26;
	v17, _, _ =	vpop (xrf2)  }
0x53: {  	v10 =	vcvt.s32.f32 v10;
	v12 =	vld.idx.msk [tilespmem:v12+s12+$0x0], $0xffff;
	v26 =	vnsel vm6, $0x0, v23;
	vm6 =	vgt.s32 v25, $0x0  }
0x54: {  	v27 =	vnsel vm5, $0x0, v21;
	v26 =	vperm.xlane v17, v26;
	v28 =	vnsel vm6, $0x0, v25;
	[tilespmem:v6+s18+$0x0] =	vst.idx.add.f32.msk vm4, v9  }
0x55: {  	vm5 =	vgt.s32 v23, $0xFFFFFFFF;
	vm6 =	vgt.s32 v21, $0xFFFFFFFF;
	(xrf1) =	vunique.msk.u32 $0xffff, v18;
	[tilespmem:v6+s19+$0x0] =	vst.idx.add.f32.msk vm4, v10;
	v21, _, _ =	vpop (xrf2)  }
0x56: {  	vm4 =	vgt.s32 v25, $0xFFFFFFFF;
	v6 =	vmovc v13;
	v10 =	vld.idx.msk [tilespmem:v15+s12+$0x0], $0xffff;
	(xrf1) =	vunique.msk.u32 $0xffff, v22;
	v15 =	vnsel vm5, $0x0, v26;
	v23 =	vperm.xlane v21, v27  }
0x57: {  	v14 =	vcvt.s32.f32 v14;
	v9 =	vld.idx.msk [tilespmem:v16+s12+$0x0], $0xffff;
	(xrf1) =	vunique.msk.u32 $0xffff, v20;
	v13 =	vsub.f32 v17, v15;
	v15 =	vcvt.s32.f32 v24  }
0x58: {  	(xrf2) =	vadd.scan.msk.f32 $0xffff, v11;
	v11 =	vnsel vm6, $0x0, v23;
	v16, _, _ =	vpop (xrf2);
	[tilespmem:v2+s18+$0x0] =	vst.idx.add.f32.msk vm0, v8  }
.Ltmp1:
0x59: {  	[tilespmem:v5+s18+$0x0] =	vst.idx.add.f32.msk vm3, v13;
	v8 =	vsub.f32 v21, v11;
	v11 =	vperm.xlane v16, v28;
	(pc) =	sbr.rel @p0 .LBB2_4-.Ltmp1, $4  }
0x5a: {  	[tilespmem:v5+s19+$0x0] =	vst.idx.add.f32.msk vm3, v14;
	v5 =	vmov v22  }
0x5b: {  	[tilespmem:v4+s18+$0x0] =	vst.idx.add.f32.msk vm1, v8;
	v8 =	vnsel vm4, $0x0, v11  }
0x5c: {  	(xrf2) =	vadd.scan.msk.f32 $0xffff, v12;
	[tilespmem:v4+s19+$0x0] =	vst.idx.add.f32.msk vm1, v19;
	v8 =	vsub.f32 v16, v8;
	v4 =	vmov v18  }
0x5d: {  	s26 =	sadd.s32 $0x40, s26;
	[tilespmem:v2+s19+$0x0] =	vst.idx.add.f32.msk vm0, v7;
	v2 =	vmovc v3;
	v3 =	vmov v20;
	v7 =	vmov v15;
	vm0 =	vmmov vm2  }
0x5e: {  	_ = 	snop  }
0x5f: {  	(xrf2) =	vadd.scan.msk.f32 $0xffff, v10;
	_ =	sdelay $0x1  }
0x60: {  	_, v10, vm3 =	vpop (xrf1)  }
0x61: {  	(xrf2) =	vadd.scan.msk.f32 $0xffff, v9;
	v11 =	vsub.s32 v1, v10;
	v9, _, _ =	vpop (xrf2)  }
0x62: {  	vm2 =	vgt.s32 v11, $0x0;
	_, v12, vm1 =	vpop (xrf1)  }
0x63: {  	v13 =	vnsel vm2, $0x0, v11;
	_, v14, vm2 =	vpop (xrf1)  }
0x64: {  	v13 =	vperm.xlane v9, v13;
	v15 =	vsub.s32 v1, v14  }
0x65: {  	vm4 =	vgt.s32 v11, $0xFFFFFFFF;
	vm6 =	vgt.s32 v15, $0x0  }
0x66: {  	v16 =	vsub.s32 v1, v12;
	v13 =	vnsel vm4, $0x0, v13;
	v17, _, _ =	vpop (xrf2);
	v18 =	vnsel vm6, $0x0, v15  }
0x67: {  	_, v11, vm5 =	vpop (xrf1);
	vm8 =	vgt.s32 v16, $0x0;
	v9 =	vsub.f32 v9, v13;
	v38 =	vperm.xlane v17, v18  }
0x68: {  	v10 =	vcvt.s32.f32 v10;
	v39 =	vnsel vm8, $0x0, v16;
	vm9 =	vgt.s32 v15, $0xFFFFFFFF;
	v40, _, _ =	vpop (xrf2)  }
0x69: {  	v19 =	vsub.s32 v1, v11;
	[tilespmem:v6+s18+$0x0] =	vst.idx.add.f32.msk vm3, v9;
	v41 =	vperm.xlane v40, v39;
	v9 =	vnsel vm9, $0x0, v38  }
0x6a: {  	vm11 =	vgt.s32 v16, $0xFFFFFFFF;
	vm10 =	vgt.s32 v19, $0x0;
	[tilespmem:v6+s19+$0x0] =	vst.idx.add.f32.msk vm3, v10;
	v6 =	vsub.f32 v17, v9  }
0x6b: {  	[tilespmem:v2+s18+$0x0] =	vst.idx.add.f32.msk vm0, v8;
	v42 =	vnsel vm10, $0x0, v19;
	v43, _, _ =	vpop (xrf2);
	v9 =	vcvt.s32.f32 v14;
	v10 =	vnsel vm11, $0x0, v41  }
0x6c: {  	v8 =	vperm.xlane v43, v42;
	[tilespmem:v5+s18+$0x0] =	vst.idx.add.f32.msk vm2, v6;
	v6 =	vsub.f32 v40, v10  }
0x6d: {  	vm12 =	vgt.s32 v19, $0xFFFFFFFF;
	v10 =	vcvt.s32.f32 v12;
	[tilespmem:v5+s19+$0x0] =	vst.idx.add.f32.msk vm2, v9  }
0x6e: {  	v5 =	vnsel vm12, $0x0, v8;
	[tilespmem:v4+s18+$0x0] =	vst.idx.add.f32.msk vm1, v6  }
0x6f: {  	[tilespmem:v4+s19+$0x0] =	vst.idx.add.f32.msk vm1, v10;
	v4 =	vsub.f32 v43, v5  }
0x70: {  	[tilespmem:v2+s19+$0x0] =	vst.idx.add.f32.msk vm0, v7;
	v5 =	vcvt.s32.f32 v11  }
0x71: {  	[tilespmem:v3+s18+$0x0] =	vst.idx.add.f32.msk vm5, v4  }
0x72: {  	[tilespmem:v3+s19+$0x0] =	vst.idx.add.f32.msk vm5, v5  }
0x73: {  	_ =	swait.ge [sflag:s13], $0x2000  }
0x74: {  	[sflag:s13] =	ssyncset.done $0x0  }
0x75: {  	[sflag:s13] =	ssyncadd.s32 $0xFFFFE000  }
0x76: {  	_ =	swait.ge [sflag:s14], $0x2000  }
0x77: {  	[sflag:s14] =	ssyncset.done $0x0  }
0x78: {  	s24 =	simm.s32 $0x2030;
	[sflag:s14] =	ssyncadd.s32 $0xFFFFE000  }
0x79: {  	s25 =	simm.s32 $0x6030;
	v2 =	vld [tilespmem:s24+$0x0]  }
0x7a: {  	v7 =	vld [tilespmem:s25+$0x0];
	_ =	sdelay $0x1  }
0x7b: {  	v3 =	vld [tilespmem:s24+$0xFFFFFFD0]  }
0x7c: {  	v4 =	vld [tilespmem:s24+$0xFFFFFFE0]  }
0x7d: {  	v8 =	vld [tilespmem:s25+$0xFFFFFFE0]  }
0x7e: {  	v11 =	vld [tilespmem:s25+$0xFFFFFFD0];
	(xrf1) =	vunique.msk.u32 $0xffff, v7;
	_ =	sdelay $0x1  }
0x7f: {  	v5 =	vld.idx.msk [tilespmem:v2+s12+$0x0], $0xffff  }
0x80: {  	v6 =	vld [tilespmem:s24+$0xFFFFFFF0]  }
0x81: {  	(xrf1) =	vunique.msk.u32 $0xffff, v8;
	v2 =	vld [tilespmem:s25+$0xFFFFFFF0]  }
0x82: {  	(xrf1) =	vunique.msk.u32 $0xffff, v11;
	v3 =	vld.idx.msk [tilespmem:v3+s12+$0x0], $0xffff  }
0x83: {  	v4 =	vld.idx.msk [tilespmem:v4+s12+$0x0], $0xffff  }
0x84: {  	(xrf2) =	vadd.scan.msk.f32 $0xffff, v5;
	_ =	sdelay $0x1  }
0x85: {  	s31 =	simm.s32 $0x2070;
	(xrf1) =	vunique.msk.u32 $0xffff, v2  }
0x86: {  	v9 =	vld [tilespmem:s31+$0x0];
	(xrf2) =	vadd.scan.msk.f32 $0xffff, v3  }
0x87: {  	v5 =	vld.idx.msk [tilespmem:v6+s12+$0x0], $0xffff;
	(xrf2) =	vadd.scan.msk.f32 $0xffff, v4  }
0x88: {  	v10 =	vld [tilespmem:s31+$0xFFFFFFD0];
	s24 =	simm.s32 $0x6070  }
0x89: {  	vm3 =	vmmov vm5;
	v6 =	vld [tilespmem:s24+$0x0]  }
0x8a: {  	v46 =	vld [tilespmem:s31+$0xFFFFFFE0];
	_, v44, vm3 =	vpop (xrf1)  }
0x8b: {  	v48 =	vld [tilespmem:s31+$0xFFFFFFF0];
	v45 =	vsub.s32 v1, v44  }
0x8c: {  	v4 =	vld [tilespmem:s24+$0xFFFFFFE0];
	(xrf2) =	vadd.scan.msk.f32 $0xffff, v5;
	vm0 =	vgt.s32 v45, $0x0  }
0x8d: {  	v5 =	vld [tilespmem:s24+$0xFFFFFFD0];
	v3 =	vnsel vm0, $0x0, v45;
	v47, _, _ =	vpop (xrf2)  }
0x8e: {  	v21 =	vld.idx.msk [tilespmem:v9+s12+$0x0], $0xffff;
	(xrf1) =	vunique.msk.u32 $0xffff, v6;
	_, v49, vm0 =	vpop (xrf1);
	v50 =	vperm.xlane v47, v3  }
0x8f: {  	vm2 =	vgt.s32 v45, $0xFFFFFFFF;
	_, v51, vm1 =	vpop (xrf1);
	v20 =	vsub.s32 v1, v49;
	v3 =	vld [tilespmem:s24+$0xFFFFFFF0]  }
0x90: {  	v52 =	vsub.s32 v1, v51;
	v53, _, _ =	vpop (xrf2);
	vm13 =	vgt.s32 v20, $0x0;
	v18 =	vnsel vm2, $0x0, v50  }
0x91: {  	(xrf1) =	vunique.msk.u32 $0xffff, v4;
	v56 =	vnsel vm13, $0x0, v20;
	v57, _, _ =	vpop (xrf2);
	vm2 =	vgt.s32 v52, $0x0;
	v9 =	vsub.f32 v47, v18  }
0x92: {  	v23 =	vld.idx.msk [tilespmem:v10+s12+$0x0], $0xffff;
	v10 =	vcvt.s32.f32 v44;
	(xrf1) =	vunique.msk.u32 $0xffff, v5;
	v58 =	vperm.xlane v57, v56;
	v54 =	vnsel vm2, $0x0, v52  }
0x93: {  	vm15 =	vgt.s32 v20, $0xFFFFFFFF;
	(xrf2) =	vadd.scan.msk.f32 $0xffff, v21;
	_, v22, vm2 =	vpop (xrf1);
	v55 =	vperm.xlane v53, v54;
	[tilespmem:v7+s18+$0x0] =	vst.idx.add.f32.msk vm3, v9  }
0x94: {  	vm14 =	vgt.s32 v52, $0xFFFFFFFF;
	v24 =	vsub.s32 v1, v22;
	v12 =	vnsel vm15, $0x0, v58;
	v9 =	vld.idx.msk [tilespmem:v48+s12+$0x0], $0xffff;
	(xrf1) =	vunique.msk.u32 $0xffff, v3  }
0x95: {  	v12 =	vsub.f32 v57, v12;
	[tilespmem:v7+s19+$0x0] =	vst.idx.add.f32.msk vm3, v10;
	v7 =	vnsel vm14, $0x0, v55;
	vm3 =	vgt.s32 v24, $0x0  }
0x96: {  	v61, _, _ =	vpop (xrf2);
	v10 =	vld.idx.msk [tilespmem:v46+s12+$0x0], $0xffff;
	v7 =	vsub.f32 v53, v7;
	v59 =	vnsel vm3, $0x0, v24  }
0x97: {  	v60 =	vcvt.s32.f32 v51;
	[tilespmem:v8+s18+$0x0] =	vst.idx.add.f32.msk vm0, v12;
	v62 =	vperm.xlane v61, v59  }
0x98: {  	v63 =	vcvt.s32.f32 v49;
	vm3 =	vgt.s32 v24, $0xFFFFFFFF;
	[tilespmem:v11+s18+$0x0] =	vst.idx.add.f32.msk vm1, v7  }
0x99: {  	(xrf2) =	vadd.scan.msk.f32 $0xffff, v23;
	[tilespmem:v11+s19+$0x0] =	vst.idx.add.f32.msk vm1, v60;
	v11 =	vnsel vm3, $0x0, v62  }
0x9a: {  	s26 =	simm.s32 $0x20B0;
	s25 =	simm.s32 $0x2040;
	[tilespmem:v8+s19+$0x0] =	vst.idx.add.f32.msk vm0, v63;
	vm0 =	vmmov vm2;
	v7 =	vcvt.s32.f32 v22;
	v8 =	vsub.f32 v61, v11  }
.LBB2_6:
0x9b: {  	v11 =	vld [tilespmem:s26+$0x0]  }
0x9c: {  	s25 =	sadd.s32 $0x40, s25;
	s24 =	sadd.s32 $0x40, s24;
	v12 =	vld [tilespmem:s26+$0xFFFFFFD0];
	(xrf2) =	vadd.scan.msk.f32 $0xffff, v10;
	_, v10, vm4 =	vpop (xrf1)  }
0x9d: {  	p0 =	slt.u32 s25, $0x3FC0;
	v13 =	vld [tilespmem:s24+$0x0];
	v14 =	vsub.s32 v1, v10  }
0x9e: {  	v15 =	vld [tilespmem:s26+$0xFFFFFFE0];
	vm1 =	vgt.s32 v14, $0x0  }
0x9f: {  	v16 =	vld [tilespmem:s26+$0xFFFFFFF0];
	v17 =	vnsel vm1, $0x0, v14;
	(xrf2) =	vadd.scan.msk.f32 $0xffff, v9;
	v9, _, _ =	vpop (xrf2)  }
0xa0: {  	v18 =	vld [tilespmem:s24+$0xFFFFFFE0];
	v27 =	vperm.xlane v9, v17;
	_, v19, vm1 =	vpop (xrf1)  }
0xa1: {  	vm2 =	vgt.s32 v14, $0xFFFFFFFF;
	v20 =	vld [tilespmem:s24+$0xFFFFFFF0];
	v21 =	vsub.s32 v1, v19;
	v19 =	vcvt.s32.f32 v19;
	_, v14, vm3 =	vpop (xrf1)  }
0xa2: {  	v22 =	vld [tilespmem:s24+$0xFFFFFFD0];
	(xrf1) =	vunique.msk.u32 $0xffff, v13;
	v23 =	vsub.s32 v1, v14;
	vm5 =	vgt.s32 v21, $0x0;
	v26 =	vnsel vm2, $0x0, v27;
	_, v24, vm2 =	vpop (xrf1)  }
0xa3: {  	v11 =	vld.idx.msk [tilespmem:v11+s12+$0x0], $0xffff;
	vm6 =	vgt.s32 v23, $0x0;
	v25 =	vsub.s32 v1, v24;
	v9 =	vsub.f32 v9, v26;
	v17, _, _ =	vpop (xrf2)  }
0xa4: {  	v10 =	vcvt.s32.f32 v10;
	v12 =	vld.idx.msk [tilespmem:v12+s12+$0x0], $0xffff;
	v26 =	vnsel vm6, $0x0, v23;
	vm6 =	vgt.s32 v25, $0x0  }
0xa5: {  	v27 =	vnsel vm5, $0x0, v21;
	v26 =	vperm.xlane v17, v26;
	v28 =	vnsel vm6, $0x0, v25;
	[tilespmem:v6+s18+$0x0] =	vst.idx.add.f32.msk vm4, v9  }
0xa6: {  	vm5 =	vgt.s32 v23, $0xFFFFFFFF;
	vm6 =	vgt.s32 v21, $0xFFFFFFFF;
	(xrf1) =	vunique.msk.u32 $0xffff, v18;
	[tilespmem:v6+s19+$0x0] =	vst.idx.add.f32.msk vm4, v10;
	v21, _, _ =	vpop (xrf2)  }
0xa7: {  	vm4 =	vgt.s32 v25, $0xFFFFFFFF;
	v6 =	vmovc v13;
	v10 =	vld.idx.msk [tilespmem:v15+s12+$0x0], $0xffff;
	(xrf1) =	vunique.msk.u32 $0xffff, v22;
	v15 =	vnsel vm5, $0x0, v26;
	v23 =	vperm.xlane v21, v27  }
0xa8: {  	v14 =	vcvt.s32.f32 v14;
	v9 =	vld.idx.msk [tilespmem:v16+s12+$0x0], $0xffff;
	(xrf1) =	vunique.msk.u32 $0xffff, v20;
	v13 =	vsub.f32 v17, v15;
	v15 =	vcvt.s32.f32 v24  }
0xa9: {  	(xrf2) =	vadd.scan.msk.f32 $0xffff, v11;
	v11 =	vnsel vm6, $0x0, v23;
	v16, _, _ =	vpop (xrf2);
	[tilespmem:v2+s18+$0x0] =	vst.idx.add.f32.msk vm0, v8  }
.Ltmp2:
0xaa: {  	[tilespmem:v5+s18+$0x0] =	vst.idx.add.f32.msk vm3, v13;
	v8 =	vsub.f32 v21, v11;
	v11 =	vperm.xlane v16, v28;
	(pc) =	sbr.rel @p0 .LBB2_6-.Ltmp2, $4  }
0xab: {  	[tilespmem:v5+s19+$0x0] =	vst.idx.add.f32.msk vm3, v14;
	v5 =	vmov v22  }
0xac: {  	[tilespmem:v4+s18+$0x0] =	vst.idx.add.f32.msk vm1, v8;
	v8 =	vnsel vm4, $0x0, v11  }
0xad: {  	(xrf2) =	vadd.scan.msk.f32 $0xffff, v12;
	[tilespmem:v4+s19+$0x0] =	vst.idx.add.f32.msk vm1, v19;
	v8 =	vsub.f32 v16, v8;
	v4 =	vmov v18  }
0xae: {  	s26 =	sadd.s32 $0x40, s26;
	[tilespmem:v2+s19+$0x0] =	vst.idx.add.f32.msk vm0, v7;
	v2 =	vmovc v3;
	v3 =	vmov v20;
	v7 =	vmov v15;
	vm0 =	vmmov vm2  }
0xaf: {  	_ = 	snop  }
0xb0: {  	(xrf2) =	vadd.scan.msk.f32 $0xffff, v10;
	_ =	sdelay $0x1  }
0xb1: {  	_, v45, vm3 =	vpop (xrf1);
	(xrf2) =	vadd.scan.msk.f32 $0xffff, v9  }
0xb2: {  	v11 =	vsub.s32 v1, v45;
	v46, _, _ =	vpop (xrf2)  }
0xb3: {  	vm2 =	vgt.s32 v11, $0x0;
	_, v12, vm1 =	vpop (xrf1)  }
0xb4: {  	v13 =	vnsel vm2, $0x0, v11;
	_, v14, vm9 =	vpop (xrf1)  }
0xb5: {  	v13 =	vperm.xlane v46, v13;
	v15 =	vsub.s32 v1, v14  }
0xb6: {  	v10 =	vcvt.s32.f32 v45;
	vm4 =	vgt.s32 v11, $0xFFFFFFFF;
	_, v47, vm5 =	vpop (xrf1);
	vm6 =	vgt.s32 v15, $0x0  }
0xb7: {  	v16 =	vsub.s32 v1, v12;
	v13 =	vnsel vm4, $0x0, v13;
	v17, _, _ =	vpop (xrf2);
	v18 =	vnsel vm6, $0x0, v15  }
0xb8: {  	vm10 =	vgt.s32 v16, $0x0;
	v19 =	vsub.s32 v1, v47;
	v48 =	vperm.xlane v17, v18  }
0xb9: {  	[tilespmem:v2+s18+$0x0] =	vst.idx.add.f32.msk vm0, v8;
	v9 =	vsub.f32 v46, v13;
	v49 =	vnsel vm10, $0x0, v16;
	vm11 =	vgt.s32 v15, $0xFFFFFFFF;
	v50, _, _ =	vpop (xrf2)  }
0xba: {  	[tilespmem:v2+s19+$0x0] =	vst.idx.add.f32.msk vm0, v7;
	vm12 =	vgt.s32 v19, $0x0;
	v52 =	vperm.xlane v50, v49;
	v51 =	vnsel vm11, $0x0, v48  }
0xbb: {  	vm13 =	vgt.s32 v16, $0xFFFFFFFF;
	[tilespmem:v6+s18+$0x0] =	vst.idx.add.f32.msk vm3, v9;
	v53 =	vnsel vm12, $0x0, v19;
	v57, _, _ =	vpop (xrf2);
	v54 =	vsub.f32 v17, v51  }
0xbc: {  	v55 =	vcvt.s32.f32 v14;
	[tilespmem:v6+s19+$0x0] =	vst.idx.add.f32.msk vm3, v10;
	v59 =	vperm.xlane v57, v53;
	v56 =	vnsel vm13, $0x0, v52  }
0xbd: {  	vm15 =	vgt.s32 v19, $0xFFFFFFFF;
	v58 =	vsub.f32 v50, v56;
	[tilespmem:v5+s18+$0x0] =	vst.idx.add.f32.msk vm9, v54  }
0xbe: {  	v60 =	vcvt.s32.f32 v12;
	v61 =	vnsel vm15, $0x0, v59;
	[tilespmem:v5+s19+$0x0] =	vst.idx.add.f32.msk vm9, v55  }
0xbf: {  	v62 =	vsub.f32 v57, v61;
	[tilespmem:v4+s18+$0x0] =	vst.idx.add.f32.msk vm1, v58  }
0xc0: {  	v63 =	vcvt.s32.f32 v47;
	[tilespmem:v4+s19+$0x0] =	vst.idx.add.f32.msk vm1, v60  }
0xc1: {  	[tilespmem:v3+s18+$0x0] =	vst.idx.add.f32.msk vm5, v62  }
0xc2: {  	[tilespmem:v3+s19+$0x0] =	vst.idx.add.f32.msk vm5, v63  }
0xc3: {  	[hbm4b:s8+s20] =	stream.strided.scatter [tilespmem:s18], [sflag:$0x4], $0x1000, s21, s20, $0x38;
	[tilespmem:$0xA080] =	vst v63  }
0xc4: {  	s23 =	sadd.s32 $0x1, s23;
	_ =	swait.ge [sflag:s22], $0x1000  }
0xc5: {  	p0 =	sne.s32 s23, s10;
	[sflag:s22] =	ssyncset.done $0x0  }
.Ltmp3:
0xc6: {  	[sflag:s22] =	ssyncadd.s32 $0xFFFFF000;
	(pc) =	sbr.rel @p0 .LBB2_1-.Ltmp3, $4  }
0xc7: {  	[hbm4b:s9+s20] =	stream.strided.scatter [tilespmem:s19], [sflag:$0x4], $0x1000, s21, s20, $0x38;
	[tilespmem:$0xA080] =	vst v63  }
0xc8: {  	_ =	swait.ge [sflag:s22], $0x1000  }
0xc9: {  	[sflag:s22] =	ssyncset.done $0x0  }
0xca: {  	vm14 =	vmmov vm5;
	[sflag:s22] =	ssyncadd.s32 $0xFFFFF000  }
0xcb: {  	_ =	sfence.sel $0x180000  }
0xcc: {  	[bflag:$0x0] =	sbarrier.arrive $0xFFFF  }
0xcd: {  	p0 =	sne.s32 s0, $0x0;
	_ =	strace $0x90000047  }
0xce: {  	s0 =	sadd.s32 @!p0 $0x100000, s1;
	[bflag:$0x2] =	sbarrier.arrive $0xFFFF  }
0xcf: {  	[sflag:s0] =	ssyncadd.tile.s32 @!p0 $0x1;
	_ =	shalt  }
.Lfunc_end2:
_tile_overlayer_lowered:
.L_overlay_start_2:
0xd0: {  	(tag) =	ssettag $0x2  }
0xd1: {  	s0 =	rddreg [dreg:$0x0];
	s2 =	stileid.u32  }
0xd2: {  	s1 =	rddreg [dreg:$0x1];
	p0 =	sne.s32 s2, $0x0  }
0xd3: {  	s3 =	rddreg [dreg:$0x2];
	[bflag:$0x3] =	sbarrier.arrive $0xFFFF;
	s2 =	simm.s32 @!p0 $0x1C04  }
0xd4: {  	[timem:s3], [sflag:s2] =	dma.local @!p0 [hbm:s0], s1  }
0xd5: {  	s0 =	simm.s32 @!p0 $0x4  }
0xd6: {  	_ =	swait.ge @!p0 [sflag:s0], s1  }
0xd7: {  	s1 =	ssub.s32 @!p0 $0x0, s1;
	[sflag:s0] =	ssyncset.done @!p0 $0x0  }
0xd8: {  	[sflag:s0] =	ssyncadd.s32 @!p0 s1  }
0xd9: {  	[bflag:$0x3] =	sbarrier.arrive $0xFFFF  }
0xda: {  	_ =	shalt  }

</sc_bundles>
